<compile_context>
chip_gen: v7x
topology: tpu7x:2x2x1
jax: 0.10.2.dev20260603
libtpu: 0.0.44.dev20260713+nightly
codegen_flags: <defaults>
</compile_context>

<pallas_src>
import functools

import jax
import jax.numpy as jnp
from jax import lax
from jax.experimental import pallas as pl
from jax.experimental.pallas import tpu as pltpu
from jax.experimental.pallas import tpu_sc as plsc

NS = 8
LANES = 16


def _score_body(feat_ref, w_ref, out_ref):
    out_ref[...] = jnp.sum(feat_ref[...] * w_ref[...], axis=1)


def _node_scores(features, w_pad, rows_per_block=8192):
    n = features.shape[0]
    dcols = w_pad.shape[1]
    grid = -(-n // rows_per_block)
    n_pad = grid * rows_per_block
    return pl.pallas_call(
        _score_body,
        grid=(grid,),
        in_specs=[
            pl.BlockSpec((rows_per_block, dcols), lambda i: (i, 0)),
            pl.BlockSpec((1, dcols), lambda i: (0, 0)),
        ],
        out_specs=pl.BlockSpec((rows_per_block,), lambda i: (i,)),
        out_shape=jax.ShapeDtypeStruct((n_pad,), jnp.float32),
    )(features, w_pad)


@functools.lru_cache(maxsize=None)
def _make_sampler(n_nodes, max_deg, n_ids, n_score):
    info = plsc.get_sparse_core_info()
    nc, nsub = info.num_cores, info.num_subcores
    nw = nc * nsub
    vpw = n_ids // nw
    ppw = vpw * NS
    gd = max_deg // NS
    assert gd == 8 and NS == 8 and n_ids % (nw * LANES) == 0
    idx_chunk = 128
    mesh = plsc.VectorSubcoreMesh(core_axis_name="c", subcore_axis_name="s")

    @functools.partial(
        pl.kernel,
        mesh=mesh,
        compiler_params=pltpu.CompilerParams(
            needs_layout_passes=False, use_tc_tiling_on_sc=False),
        out_type=[
            jax.ShapeDtypeStruct((n_ids * NS,), jnp.int32),
            jax.ShapeDtypeStruct((n_ids,), jnp.float32),
        ],
        scratch_types=[
            pltpu.VMEM((n_score,), jnp.float32),
            pltpu.VMEM((vpw,), jnp.int32),
            pltpu.VMEM((vpw, max_deg), jnp.int32),
            pltpu.VMEM((ppw,), jnp.int32),
            pltpu.VMEM((ppw,), jnp.float32),
            pltpu.VMEM((vpw,), jnp.float32),
            pltpu.SemaphoreType.DMA,
        ],
    )
    def sampler(score_hbm, ids_hbm, adj_hbm, sel_hbm, nnz_hbm,
                score_v, ids_v, adj_v, sel_v, nzi_v, nnz_v, sem):
        wid = lax.axis_index("s") * nc + lax.axis_index("c")
        vbase = wid * vpw
        pltpu.sync_copy(ids_hbm.at[pl.ds(vbase, vpw)], ids_v)
        copies = [
            pltpu.async_copy(
                adj_hbm.at[ids_v.at[pl.ds(c * idx_chunk, idx_chunk)]],
                adj_v.at[pl.ds(c * idx_chunk, idx_chunk)],
                sem,
            )
            for c in range(vpw // idx_chunk)
        ]
        pltpu.sync_copy(score_hbm, score_v)
        for cp in copies:
            cp.wait()

        sentinel = n_nodes - 1

        def pair_body(pb, carry):
            lanes = lax.iota(jnp.int32, LANES)
            p = pb * LANES + lanes
            row = lax.shift_right_logical(p, 3)
            colb = lax.shift_left(p & (NS - 1), 3)
            nbr = plsc.load_gather(adj_v, [row, colb])
            best_s = plsc.load_gather(score_v, [nbr])
            best_g = jnp.zeros((LANES,), jnp.int32)
            for g in range(1, gd):
                nbr = plsc.load_gather(adj_v, [row, colb + g])
                s = plsc.load_gather(score_v, [nbr])
                pred = s < best_s
                best_s = jnp.where(pred, s, best_s)
                best_g = jnp.where(pred, jnp.full((LANES,), g, jnp.int32), best_g)
            sel = plsc.load_gather(adj_v, [row, colb + best_g])
            sel_v[pl.ds(pb * LANES, LANES)] = sel
            nzi_v[pl.ds(pb * LANES, LANES)] = jnp.where(
                sel == sentinel,
                jnp.zeros((LANES,), jnp.float32),
                jnp.ones((LANES,), jnp.float32),
            )
            return carry

        lax.fori_loop(0, ppw // LANES, pair_body, None)

        def nnz_body(vb, carry):
            lanes = lax.iota(jnp.int32, LANES)
            v = vb * LANES + lanes
            vb8 = lax.shift_left(v, 3)
            acc = plsc.load_gather(nzi_v, [vb8])
            for g in range(1, NS):
                acc = acc + plsc.load_gather(nzi_v, [vb8 + g])
            nnz_v[pl.ds(vb * LANES, LANES)] = acc
            return carry

        lax.fori_loop(0, vpw // LANES, nnz_body, None)

        pltpu.sync_copy(sel_v, sel_hbm.at[pl.ds(wid * ppw, ppw)])
        pltpu.sync_copy(nnz_v, nnz_hbm.at[pl.ds(wid * vpw, vpw)])

    return sampler


def kernel(features, W, b, ids, num_samples, adj_info):
    n_nodes, _ = features.shape
    n_ids = ids.shape[0]
    max_deg = adj_info.shape[1]
    dcols = features.shape[1]

    w_pad = jnp.zeros((1, dcols), jnp.float32).at[0, :50].set(W[50:100, 0])
    scores = _node_scores(features, w_pad)

    sel_flat, adj_numnz = _make_sampler(n_nodes, max_deg, n_ids, scores.shape[0])(
        scores, ids, adj_info)
    adj_sel = sel_flat.reshape(n_ids, NS)
    att = jnp.ones((n_ids, NS), jnp.float32)
    return (adj_sel, att, adj_numnz, adj_numnz)

# --- scband reference (transcript-rebuilt; emitter-appended) ---
"""Pipeline reference for scband-fast-mlneighbor-sampler-9337258901922 (READ-ONLY COPY).

The authoritative reference and input builder live on the scoring server;
editing this copy changes nothing except your own understanding.
"""

import jax, jax.numpy as jnp
import numpy as np

N_NODES = 50000
MAX_DEG = 64
D_FEAT = 128
N_IDS = 8192
NUM_SAMPLES = 8


def setup_inputs(seed: int = 0):
    key = jax.random.key(seed)
    k1, k2, k3, k4 = jax.random.split(key, 4)
    ids = jax.random.randint(k1, (N_IDS,), 0, N_NODES, dtype=jnp.int32)
    adj_info = jax.random.randint(k2, (N_NODES, MAX_DEG), 0, N_NODES, dtype=jnp.int32)
    features = jax.random.normal(k3, (N_NODES, D_FEAT), dtype=jnp.float32)
    # dense layer (nonlinear sampler path): concat dim = 50 + 50 = 100 -> 1, non-trainable
    W = jax.random.normal(k4, (100, 1), dtype=jnp.float32) * 0.1
    b = jnp.zeros((1,), dtype=jnp.float32)
    return {"features": features, "W": W, "b": b, "ids": ids, "num_samples": NUM_SAMPLES, "adj_info": adj_info}


def reference(features, W, b, ids, num_samples, adj_info):
    # adj_lists = embedding_lookup(adj_info, ids)
    adj_lists = jnp.take(adj_info, ids, axis=0)
    neig_full = adj_info.shape[1]
    ns_static = NUM_SAMPLES
    neig_num = (neig_full // ns_static) * ns_static
    adj_lists = adj_lists[:, :neig_num]
    vert_num = adj_lists.shape[0]
    # feature lookups, sliced to first 50 dims (as in original)
    v_f = jnp.take(features, ids, axis=0)[:, :50]
    n_f = jnp.take(features, adj_lists.reshape(-1), axis=0)[:, :50]
    n_f = n_f.reshape(vert_num, neig_num, 50)
    # nonlinear sampler branch: tile v_f, concat, dense(1), relu(exp(.))
    v_t = jnp.broadcast_to(v_f[:, None, :], (vert_num, neig_num, 50))
    l = jnp.concatenate([v_t, n_f], axis=2) @ W + b  # [V, neig_num, 1]
    out = jax.nn.relu(jnp.exp(l))
    out = jnp.squeeze(out, axis=-1)  # [V, neig_num]
    group_dim = neig_num // ns_static
    out = out.reshape(vert_num, ns_static, group_dim)
    idx_y = jnp.argmin(out, axis=-1).astype(jnp.int32)  # [V, num_samples]
    delta = jnp.arange(0, group_dim * ns_static, group_dim, dtype=jnp.int32)[None, :]
    ns_zero = (jnp.asarray(num_samples, dtype=jnp.int32) - jnp.int32(ns_static))
    idx_y = idx_y + delta + ns_zero
    idx_x = jnp.broadcast_to(jnp.arange(vert_num, dtype=jnp.int32)[:, None], (vert_num, ns_static))
    adj_sel = adj_lists[idx_x.reshape(-1), idx_y.reshape(-1)].reshape(vert_num, ns_static)
    condition = adj_sel == (adj_info.shape[0] - 1)
    adj_numnz = jnp.sum(jnp.where(condition, jnp.zeros_like(adj_sel, dtype=jnp.float32), jnp.ones_like(adj_sel, dtype=jnp.float32)), axis=1)
    att = jnp.ones(adj_sel.shape, dtype=jnp.float32)
    return (adj_sel, att, adj_numnz, adj_numnz)

if __name__ == "__main__":
    import jax
    _d = setup_inputs()
    print(jax.jit(kernel)(*tuple(_d.values())))

</pallas_src>

<mosaic_0001>
#map = affine_map<(d0, d1) -> (0)>
#map1 = affine_map<(d0, d1) -> (0, 0)>
module attributes {stable_mosaic.version = 14 : i64} {
  func.func @sampler(%arg0: i32, %arg1: i32, %arg2: memref<57344xf32, #tpu.memory_space<hbm>>, %arg3: memref<8192xi32, #tpu.memory_space<hbm>>, %arg4: memref<50000x64xi32, #tpu.memory_space<hbm>>, %arg5: memref<65536xi32, #tpu.memory_space<hbm>>, %arg6: memref<8192xf32, #tpu.memory_space<hbm>>, %arg7: memref<57344xf32, #tpu.memory_space<vmem>>, %arg8: memref<256xi32, #tpu.memory_space<vmem>>, %arg9: memref<256x64xi32, #tpu.memory_space<vmem>>, %arg10: memref<2048xi32, #tpu.memory_space<vmem>>, %arg11: memref<2048xf32, #tpu.memory_space<vmem>>, %arg12: memref<256xf32, #tpu.memory_space<vmem>>, %arg13: memref<!tpu.dma_semaphore, #tpu.memory_space<semaphore_mem>>) attributes {dimension_semantics = [#tpu.dimension_semantics<core_parallel>, #tpu.dimension_semantics<subcore_parallel>], iteration_bounds = array<i64: 2, 16>, scalar_prefetch = 0 : i64, scratch_operands = 7 : i64, tpu.core_type = #tpu.core_type<sc_vector_subcore>, window_params = [{transform_indices = #map}, {transform_indices = #map}, {transform_indices = #map1}, {transform_indices = #map}, {transform_indices = #map}]} {
    %mul3A = arith.constant 2 : i32
    %mul3A_0 = arith.muli %arg1, %mul3A : i32
    %add3A = arith.addi %mul3A_0, %arg0 : i32
    %mul3A_1 = arith.constant 256 : i32
    %mul3A_2 = arith.muli %add3A, %mul3A_1 : i32
    "tpu.region"() ({
      %run_scoped3A = tpu.sem_alloc : memref<!tpu.dma_semaphore, #tpu.memory_space<semaphore_mem>>
      %dma_start3A_46 = tpu.memref_slice %arg3[%mul3A_2] : memref<8192xi32, #tpu.memory_space<hbm>> -> memref<256xi32, #tpu.memory_space<hbm>>
      %dma_start3A_47 = tpu.memref_slice %arg3[%mul3A_2] : memref<8192xi32, #tpu.memory_space<hbm>> -> memref<256xi32, #tpu.memory_space<hbm>>
      tpu.enqueue_dma source(%dma_start3A_47 : memref<256xi32, #tpu.memory_space<hbm>>) target(%arg8 : memref<256xi32, #tpu.memory_space<vmem>>) target_semaphore(%run_scoped3A : memref<!tpu.dma_semaphore, #tpu.memory_space<semaphore_mem>>)
      %dma_wait3A_48 = tpu.memref_slice %arg3[%mul3A_2] : memref<8192xi32, #tpu.memory_space<hbm>> -> memref<256xi32, #tpu.memory_space<hbm>>
      %dma_wait3A_49 = tpu.memref_slice %arg3[%mul3A_2] : memref<8192xi32, #tpu.memory_space<hbm>> -> memref<256xi32, #tpu.memory_space<hbm>>
      tpu.wait_dma2 semaphore(%run_scoped3A : memref<!tpu.dma_semaphore, #tpu.memory_space<semaphore_mem>>) src(%dma_wait3A_49 : memref<256xi32, #tpu.memory_space<hbm>>) dst(%arg8 : memref<256xi32, #tpu.memory_space<vmem>>)
      tpu.yield
    }) : () -> ()
    %dma_start3A = arith.constant 0 : i32
    %dma_start3A_3 = arith.constant 0 : i32
    %dma_start3A_4 = tpu.memref_slice %arg9[%dma_start3A, %dma_start3A_3] : memref<256x64xi32, #tpu.memory_space<vmem>> -> memref<128x64xi32, #tpu.memory_space<vmem>>
    %dma_start3A_5 = arith.constant 0 : i32
    %dma_start3A_6 = tpu.memref_slice %arg8[%dma_start3A_5] : memref<256xi32, #tpu.memory_space<vmem>> -> memref<128xi32, #tpu.memory_space<vmem>>
    %dma_start3A_7 = arith.constant 0 : i32
    %dma_start3A_8 = arith.constant 0 : i32
    %dma_start3A_9 = tpu.memref_slice %arg4[%dma_start3A_7, %dma_start3A_8] : memref<50000x64xi32, #tpu.memory_space<hbm>> -> memref<50000x64xi32, #tpu.memory_space<hbm>>
    tpu.enqueue_indirect_dma source(%dma_start3A_9 : memref<50000x64xi32, #tpu.memory_space<hbm>>) target(%dma_start3A_4 : memref<128x64xi32, #tpu.memory_space<vmem>>) offsets(%dma_start3A_6 : memref<128xi32, #tpu.memory_space<vmem>>) semaphore(%arg13 : memref<!tpu.dma_semaphore, #tpu.memory_space<semaphore_mem>>)
    %dma_start3A_10 = arith.constant 128 : i32
    %dma_start3A_11 = arith.constant 0 : i32
    %dma_start3A_12 = tpu.memref_slice %arg9[%dma_start3A_10, %dma_start3A_11] : memref<256x64xi32, #tpu.memory_space<vmem>> -> memref<128x64xi32, #tpu.memory_space<vmem>>
    %dma_start3A_13 = arith.constant 128 : i32
    %dma_start3A_14 = tpu.memref_slice %arg8[%dma_start3A_13] : memref<256xi32, #tpu.memory_space<vmem>> -> memref<128xi32, #tpu.memory_space<vmem>>
    %dma_start3A_15 = arith.constant 0 : i32
    %dma_start3A_16 = arith.constant 0 : i32
    %dma_start3A_17 = tpu.memref_slice %arg4[%dma_start3A_15, %dma_start3A_16] : memref<50000x64xi32, #tpu.memory_space<hbm>> -> memref<50000x64xi32, #tpu.memory_space<hbm>>
    tpu.enqueue_indirect_dma source(%dma_start3A_17 : memref<50000x64xi32, #tpu.memory_space<hbm>>) target(%dma_start3A_12 : memref<128x64xi32, #tpu.memory_space<vmem>>) offsets(%dma_start3A_14 : memref<128xi32, #tpu.memory_space<vmem>>) semaphore(%arg13 : memref<!tpu.dma_semaphore, #tpu.memory_space<semaphore_mem>>)
    "tpu.region"() ({
      %run_scoped3A = tpu.sem_alloc : memref<!tpu.dma_semaphore, #tpu.memory_space<semaphore_mem>>
      tpu.enqueue_dma source(%arg2 : memref<57344xf32, #tpu.memory_space<hbm>>) target(%arg7 : memref<57344xf32, #tpu.memory_space<vmem>>) target_semaphore(%run_scoped3A : memref<!tpu.dma_semaphore, #tpu.memory_space<semaphore_mem>>)
      tpu.wait_dma2 semaphore(%run_scoped3A : memref<!tpu.dma_semaphore, #tpu.memory_space<semaphore_mem>>) src(%arg2 : memref<57344xf32, #tpu.memory_space<hbm>>) dst(%arg7 : memref<57344xf32, #tpu.memory_space<vmem>>)
      tpu.yield
    }) : () -> ()
    %dma_wait3A = arith.constant 0 : i32
    %dma_wait3A_18 = arith.constant 0 : i32
    %dma_wait3A_19 = tpu.memref_slice %arg9[%dma_wait3A, %dma_wait3A_18] : memref<256x64xi32, #tpu.memory_space<vmem>> -> memref<128x64xi32, #tpu.memory_space<vmem>>
    %dma_wait3A_20 = arith.constant 0 : i32
    %dma_wait3A_21 = tpu.memref_slice %arg8[%dma_wait3A_20] : memref<256xi32, #tpu.memory_space<vmem>> -> memref<128xi32, #tpu.memory_space<vmem>>
    %dma_wait3A_22 = arith.constant 0 : i32
    %dma_wait3A_23 = arith.constant 0 : i32
    %dma_wait3A_24 = tpu.memref_slice %arg4[%dma_wait3A_22, %dma_wait3A_23] : memref<50000x64xi32, #tpu.memory_space<hbm>> -> memref<50000x64xi32, #tpu.memory_space<hbm>>
    tpu.wait_indirect_dma semaphore(%arg13 : memref<!tpu.dma_semaphore, #tpu.memory_space<semaphore_mem>>) src(%dma_wait3A_24 : memref<50000x64xi32, #tpu.memory_space<hbm>>) dst(%dma_wait3A_19 : memref<128x64xi32, #tpu.memory_space<vmem>>)
    %dma_wait3A_25 = arith.constant 128 : i32
    %dma_wait3A_26 = arith.constant 0 : i32
    %dma_wait3A_27 = tpu.memref_slice %arg9[%dma_wait3A_25, %dma_wait3A_26] : memref<256x64xi32, #tpu.memory_space<vmem>> -> memref<128x64xi32, #tpu.memory_space<vmem>>
    %dma_wait3A_28 = arith.constant 128 : i32
    %dma_wait3A_29 = tpu.memref_slice %arg8[%dma_wait3A_28] : memref<256xi32, #tpu.memory_space<vmem>> -> memref<128xi32, #tpu.memory_space<vmem>>
    %dma_wait3A_30 = arith.constant 0 : i32
    %dma_wait3A_31 = arith.constant 0 : i32
    %dma_wait3A_32 = tpu.memref_slice %arg4[%dma_wait3A_30, %dma_wait3A_31] : memref<50000x64xi32, #tpu.memory_space<hbm>> -> memref<50000x64xi32, #tpu.memory_space<hbm>>
    tpu.wait_indirect_dma semaphore(%arg13 : memref<!tpu.dma_semaphore, #tpu.memory_space<semaphore_mem>>) src(%dma_wait3A_32 : memref<50000x64xi32, #tpu.memory_space<hbm>>) dst(%dma_wait3A_27 : memref<128x64xi32, #tpu.memory_space<vmem>>)
    %scan3A = arith.constant 0 : i32
    %scan3A_33 = arith.constant 128 : i32
    %scan3A_34 = arith.addi %scan3A, %scan3A_33 : i32
    %scan3A_35 = arith.constant 1 : i32
    scf.for %scan3A_46 = %scan3A to %scan3A_34 step %scan3A_35  : i32 {
      %iota3A = tpu.iota {dimensions = array<i32: 0>} : vector<16xi32>
      %mul3A_47 = arith.constant 16 : i32
      %mul3A_48 = arith.muli %scan3A_46, %mul3A_47 : i32
      %add3A_49 = vector.broadcast %mul3A_48 : i32 to vector<16xi32>
      %add3A_50 = arith.addi %add3A_49, %iota3A : vector<16xi32>
      %shift_right_logical3A = arith.constant 3 : i32
      %shift_right_logical3A_51 = vector.broadcast %shift_right_logical3A : i32 to vector<16xi32>
      %shift_right_logical3A_52 = arith.shrui %add3A_50, %shift_right_logical3A_51 : vector<16xi32>
      %and3A = arith.constant 7 : i32
      %and3A_53 = vector.broadcast %and3A : i32 to vector<16xi32>
      %and3A_54 = arith.andi %add3A_50, %and3A_53 : vector<16xi32>
      %shift_left3A = arith.constant 3 : i32
      %shift_left3A_55 = vector.broadcast %shift_left3A : i32 to vector<16xi32>
      %shift_left3A_56 = arith.shli %and3A_54, %shift_left3A_55 : vector<16xi32>
      %gather3A = tpu.vector_load_idx %arg9[%shift_right_logical3A_52, %shift_left3A_56] : memref<256x64xi32, #tpu.memory_space<vmem>>[vector<16xi32>, vector<16xi32>], vector<16xi32>,
      %gather3A_57 = tpu.vector_load_idx %arg7[%gather3A] : memref<57344xf32, #tpu.memory_space<vmem>>[vector<16xi32>], vector<16xf32>,
      %broadcast_in_dim3A = arith.constant 0 : i32
      %broadcast_in_dim3A_58 = vector.broadcast %broadcast_in_dim3A : i32 to vector<16xi32>
      %add3A_59 = arith.constant 1 : i32
      %add3A_60 = vector.broadcast %add3A_59 : i32 to vector<16xi32>
      %add3A_61 = arith.addi %shift_left3A_56, %add3A_60 : vector<16xi32>
      %gather3A_62 = tpu.vector_load_idx %arg9[%shift_right_logical3A_52, %add3A_61] : memref<256x64xi32, #tpu.memory_space<vmem>>[vector<16xi32>, vector<16xi32>], vector<16xi32>,
      %gather3A_63 = tpu.vector_load_idx %arg7[%gather3A_62] : memref<57344xf32, #tpu.memory_space<vmem>>[vector<16xi32>], vector<16xf32>,
      %lt3A = arith.cmpf olt, %gather3A_63, %gather3A_57 : vector<16xf32>
      %select_n3A = arith.select %lt3A, %gather3A_63, %gather3A_57 : vector<16xi1>, vector<16xf32>
      %broadcast_in_dim3A_64 = arith.constant 1 : i32
      %broadcast_in_dim3A_65 = vector.broadcast %broadcast_in_dim3A_64 : i32 to vector<16xi32>
      %select_n3A_66 = arith.select %lt3A, %broadcast_in_dim3A_65, %broadcast_in_dim3A_58 : vector<16xi1>, vector<16xi32>
      %add3A_67 = arith.constant 2 : i32
      %add3A_68 = vector.broadcast %add3A_67 : i32 to vector<16xi32>
      %add3A_69 = arith.addi %shift_left3A_56, %add3A_68 : vector<16xi32>
      %gather3A_70 = tpu.vector_load_idx %arg9[%shift_right_logical3A_52, %add3A_69] : memref<256x64xi32, #tpu.memory_space<vmem>>[vector<16xi32>, vector<16xi32>], vector<16xi32>,
      %gather3A_71 = tpu.vector_load_idx %arg7[%gather3A_70] : memref<57344xf32, #tpu.memory_space<vmem>>[vector<16xi32>], vector<16xf32>,
      %lt3A_72 = arith.cmpf olt, %gather3A_71, %select_n3A : vector<16xf32>
      %select_n3A_73 = arith.select %lt3A_72, %gather3A_71, %select_n3A : vector<16xi1>, vector<16xf32>
      %broadcast_in_dim3A_74 = arith.constant 2 : i32
      %broadcast_in_dim3A_75 = vector.broadcast %broadcast_in_dim3A_74 : i32 to vector<16xi32>
      %select_n3A_76 = arith.select %lt3A_72, %broadcast_in_dim3A_75, %select_n3A_66 : vector<16xi1>, vector<16xi32>
      %add3A_77 = arith.constant 3 : i32
      %add3A_78 = vector.broadcast %add3A_77 : i32 to vector<16xi32>
      %add3A_79 = arith.addi %shift_left3A_56, %add3A_78 : vector<16xi32>
      %gather3A_80 = tpu.vector_load_idx %arg9[%shift_right_logical3A_52, %add3A_79] : memref<256x64xi32, #tpu.memory_space<vmem>>[vector<16xi32>, vector<16xi32>], vector<16xi32>,
      %gather3A_81 = tpu.vector_load_idx %arg7[%gather3A_80] : memref<57344xf32, #tpu.memory_space<vmem>>[vector<16xi32>], vector<16xf32>,
      %lt3A_82 = arith.cmpf olt, %gather3A_81, %select_n3A_73 : vector<16xf32>
      %select_n3A_83 = arith.select %lt3A_82, %gather3A_81, %select_n3A_73 : vector<16xi1>, vector<16xf32>
      %broadcast_in_dim3A_84 = arith.constant 3 : i32
      %broadcast_in_dim3A_85 = vector.broadcast %broadcast_in_dim3A_84 : i32 to vector<16xi32>
      %select_n3A_86 = arith.select %lt3A_82, %broadcast_in_dim3A_85, %select_n3A_76 : vector<16xi1>, vector<16xi32>
      %add3A_87 = arith.constant 4 : i32
      %add3A_88 = vector.broadcast %add3A_87 : i32 to vector<16xi32>
      %add3A_89 = arith.addi %shift_left3A_56, %add3A_88 : vector<16xi32>
      %gather3A_90 = tpu.vector_load_idx %arg9[%shift_right_logical3A_52, %add3A_89] : memref<256x64xi32, #tpu.memory_space<vmem>>[vector<16xi32>, vector<16xi32>], vector<16xi32>,
      %gather3A_91 = tpu.vector_load_idx %arg7[%gather3A_90] : memref<57344xf32, #tpu.memory_space<vmem>>[vector<16xi32>], vector<16xf32>,
      %lt3A_92 = arith.cmpf olt, %gather3A_91, %select_n3A_83 : vector<16xf32>
      %select_n3A_93 = arith.select %lt3A_92, %gather3A_91, %select_n3A_83 : vector<16xi1>, vector<16xf32>
      %broadcast_in_dim3A_94 = arith.constant 4 : i32
      %broadcast_in_dim3A_95 = vector.broadcast %broadcast_in_dim3A_94 : i32 to vector<16xi32>
      %select_n3A_96 = arith.select %lt3A_92, %broadcast_in_dim3A_95, %select_n3A_86 : vector<16xi1>, vector<16xi32>
      %add3A_97 = arith.constant 5 : i32
      %add3A_98 = vector.broadcast %add3A_97 : i32 to vector<16xi32>
      %add3A_99 = arith.addi %shift_left3A_56, %add3A_98 : vector<16xi32>
      %gather3A_100 = tpu.vector_load_idx %arg9[%shift_right_logical3A_52, %add3A_99] : memref<256x64xi32, #tpu.memory_space<vmem>>[vector<16xi32>, vector<16xi32>], vector<16xi32>,
      %gather3A_101 = tpu.vector_load_idx %arg7[%gather3A_100] : memref<57344xf32, #tpu.memory_space<vmem>>[vector<16xi32>], vector<16xf32>,
      %lt3A_102 = arith.cmpf olt, %gather3A_101, %select_n3A_93 : vector<16xf32>
      %select_n3A_103 = arith.select %lt3A_102, %gather3A_101, %select_n3A_93 : vector<16xi1>, vector<16xf32>
      %broadcast_in_dim3A_104 = arith.constant 5 : i32
      %broadcast_in_dim3A_105 = vector.broadcast %broadcast_in_dim3A_104 : i32 to vector<16xi32>
      %select_n3A_106 = arith.select %lt3A_102, %broadcast_in_dim3A_105, %select_n3A_96 : vector<16xi1>, vector<16xi32>
      %add3A_107 = arith.constant 6 : i32
      %add3A_108 = vector.broadcast %add3A_107 : i32 to vector<16xi32>
      %add3A_109 = arith.addi %shift_left3A_56, %add3A_108 : vector<16xi32>
      %gather3A_110 = tpu.vector_load_idx %arg9[%shift_right_logical3A_52, %add3A_109] : memref<256x64xi32, #tpu.memory_space<vmem>>[vector<16xi32>, vector<16xi32>], vector<16xi32>,
      %gather3A_111 = tpu.vector_load_idx %arg7[%gather3A_110] : memref<57344xf32, #tpu.memory_space<vmem>>[vector<16xi32>], vector<16xf32>,
      %lt3A_112 = arith.cmpf olt, %gather3A_111, %select_n3A_103 : vector<16xf32>
      %select_n3A_113 = arith.select %lt3A_112, %gather3A_111, %select_n3A_103 : vector<16xi1>, vector<16xf32>
      %broadcast_in_dim3A_114 = arith.constant 6 : i32
      %broadcast_in_dim3A_115 = vector.broadcast %broadcast_in_dim3A_114 : i32 to vector<16xi32>
      %select_n3A_116 = arith.select %lt3A_112, %broadcast_in_dim3A_115, %select_n3A_106 : vector<16xi1>, vector<16xi32>
      %add3A_117 = arith.constant 7 : i32
      %add3A_118 = vector.broadcast %add3A_117 : i32 to vector<16xi32>
      %add3A_119 = arith.addi %shift_left3A_56, %add3A_118 : vector<16xi32>
      %gather3A_120 = tpu.vector_load_idx %arg9[%shift_right_logical3A_52, %add3A_119] : memref<256x64xi32, #tpu.memory_space<vmem>>[vector<16xi32>, vector<16xi32>], vector<16xi32>,
      %gather3A_121 = tpu.vector_load_idx %arg7[%gather3A_120] : memref<57344xf32, #tpu.memory_space<vmem>>[vector<16xi32>], vector<16xf32>,
      %lt3A_122 = arith.cmpf olt, %gather3A_121, %select_n3A_113 : vector<16xf32>
      %select_n3A_123 = arith.select %lt3A_122, %gather3A_121, %select_n3A_113 : vector<16xi1>, vector<16xf32>
      %broadcast_in_dim3A_124 = arith.constant 7 : i32
      %broadcast_in_dim3A_125 = vector.broadcast %broadcast_in_dim3A_124 : i32 to vector<16xi32>
      %select_n3A_126 = arith.select %lt3A_122, %broadcast_in_dim3A_125, %select_n3A_116 : vector<16xi1>, vector<16xi32>
      %add3A_127 = arith.addi %shift_left3A_56, %select_n3A_126 : vector<16xi32>
      %gather3A_128 = tpu.vector_load_idx %arg9[%shift_right_logical3A_52, %add3A_127] : memref<256x64xi32, #tpu.memory_space<vmem>>[vector<16xi32>, vector<16xi32>], vector<16xi32>,
      %mul3A_129 = arith.constant 16 : i32
      %mul3A_130 = arith.muli %scan3A_46, %mul3A_129 : i32
      %swap3A = arith.index_cast %mul3A_130 : i32 to index
      %swap3A_131 = tpu.vector_load %arg10[%swap3A] {strides = array<i32>} : memref<2048xi32, #tpu.memory_space<vmem>>, vector<16xi32>,
      tpu.vector_store %arg10[%swap3A], %gather3A_128 {strides = array<i32>} : memref<2048xi32, #tpu.memory_space<vmem>>, vector<16xi32>,
      %eq3A = arith.constant 49999 : i32
      %eq3A_132 = vector.broadcast %eq3A : i32 to vector<16xi32>
      %eq3A_133 = arith.cmpi eq, %gather3A_128, %eq3A_132 : vector<16xi32>
      %broadcast_in_dim3A_134 = arith.constant 0.000000e+00 : f32
      %broadcast_in_dim3A_135 = vector.broadcast %broadcast_in_dim3A_134 : f32 to vector<16xf32>
      %broadcast_in_dim3A_136 = arith.constant 1.000000e+00 : f32
      %broadcast_in_dim3A_137 = vector.broadcast %broadcast_in_dim3A_136 : f32 to vector<16xf32>
      %select_n3A_138 = arith.select %eq3A_133, %broadcast_in_dim3A_135, %broadcast_in_dim3A_137 : vector<16xi1>, vector<16xf32>
      %mul3A_139 = arith.constant 16 : i32
      %mul3A_140 = arith.muli %scan3A_46, %mul3A_139 : i32
      %swap3A_141 = arith.index_cast %mul3A_140 : i32 to index
      %swap3A_142 = tpu.vector_load %arg11[%swap3A_141] {strides = array<i32>} : memref<2048xf32, #tpu.memory_space<vmem>>, vector<16xf32>,
      tpu.vector_store %arg11[%swap3A_141], %select_n3A_138 {strides = array<i32>} : memref<2048xf32, #tpu.memory_space<vmem>>, vector<16xf32>,
    }
    %scan3A_36 = arith.constant 128 : i32
    %scan3A_37 = arith.constant 0 : i32
    %scan3A_38 = arith.constant 16 : i32
    %scan3A_39 = arith.addi %scan3A_37, %scan3A_38 : i32
    %scan3A_40 = arith.constant 1 : i32
    scf.for %scan3A_46 = %scan3A_37 to %scan3A_39 step %scan3A_40  : i32 {
      %iota3A = tpu.iota {dimensions = array<i32: 0>} : vector<16xi32>
      %mul3A_47 = arith.constant 16 : i32
      %mul3A_48 = arith.muli %scan3A_46, %mul3A_47 : i32
      %add3A_49 = vector.broadcast %mul3A_48 : i32 to vector<16xi32>
      %add3A_50 = arith.addi %add3A_49, %iota3A : vector<16xi32>
      %shift_left3A = arith.constant 3 : i32
      %shift_left3A_51 = vector.broadcast %shift_left3A : i32 to vector<16xi32>
      %shift_left3A_52 = arith.shli %add3A_50, %shift_left3A_51 : vector<16xi32>
      %gather3A = tpu.vector_load_idx %arg11[%shift_left3A_52] : memref<2048xf32, #tpu.memory_space<vmem>>[vector<16xi32>], vector<16xf32>,
      %add3A_53 = arith.constant 1 : i32
      %add3A_54 = vector.broadcast %add3A_53 : i32 to vector<16xi32>
      %add3A_55 = arith.addi %shift_left3A_52, %add3A_54 : vector<16xi32>
      %gather3A_56 = tpu.vector_load_idx %arg11[%add3A_55] : memref<2048xf32, #tpu.memory_space<vmem>>[vector<16xi32>], vector<16xf32>,
      %add3A_57 = arith.addf %gather3A, %gather3A_56 : vector<16xf32>
      %add3A_58 = arith.constant 2 : i32
      %add3A_59 = vector.broadcast %add3A_58 : i32 to vector<16xi32>
      %add3A_60 = arith.addi %shift_left3A_52, %add3A_59 : vector<16xi32>
      %gather3A_61 = tpu.vector_load_idx %arg11[%add3A_60] : memref<2048xf32, #tpu.memory_space<vmem>>[vector<16xi32>], vector<16xf32>,
      %add3A_62 = arith.addf %add3A_57, %gather3A_61 : vector<16xf32>
      %add3A_63 = arith.constant 3 : i32
      %add3A_64 = vector.broadcast %add3A_63 : i32 to vector<16xi32>
      %add3A_65 = arith.addi %shift_left3A_52, %add3A_64 : vector<16xi32>
      %gather3A_66 = tpu.vector_load_idx %arg11[%add3A_65] : memref<2048xf32, #tpu.memory_space<vmem>>[vector<16xi32>], vector<16xf32>,
      %add3A_67 = arith.addf %add3A_62, %gather3A_66 : vector<16xf32>
      %add3A_68 = arith.constant 4 : i32
      %add3A_69 = vector.broadcast %add3A_68 : i32 to vector<16xi32>
      %add3A_70 = arith.addi %shift_left3A_52, %add3A_69 : vector<16xi32>
      %gather3A_71 = tpu.vector_load_idx %arg11[%add3A_70] : memref<2048xf32, #tpu.memory_space<vmem>>[vector<16xi32>], vector<16xf32>,
      %add3A_72 = arith.addf %add3A_67, %gather3A_71 : vector<16xf32>
      %add3A_73 = arith.constant 5 : i32
      %add3A_74 = vector.broadcast %add3A_73 : i32 to vector<16xi32>
      %add3A_75 = arith.addi %shift_left3A_52, %add3A_74 : vector<16xi32>
      %gather3A_76 = tpu.vector_load_idx %arg11[%add3A_75] : memref<2048xf32, #tpu.memory_space<vmem>>[vector<16xi32>], vector<16xf32>,
      %add3A_77 = arith.addf %add3A_72, %gather3A_76 : vector<16xf32>
      %add3A_78 = arith.constant 6 : i32
      %add3A_79 = vector.broadcast %add3A_78 : i32 to vector<16xi32>
      %add3A_80 = arith.addi %shift_left3A_52, %add3A_79 : vector<16xi32>
      %gather3A_81 = tpu.vector_load_idx %arg11[%add3A_80] : memref<2048xf32, #tpu.memory_space<vmem>>[vector<16xi32>], vector<16xf32>,
      %add3A_82 = arith.addf %add3A_77, %gather3A_81 : vector<16xf32>
      %add3A_83 = arith.constant 7 : i32
      %add3A_84 = vector.broadcast %add3A_83 : i32 to vector<16xi32>
      %add3A_85 = arith.addi %shift_left3A_52, %add3A_84 : vector<16xi32>
      %gather3A_86 = tpu.vector_load_idx %arg11[%add3A_85] : memref<2048xf32, #tpu.memory_space<vmem>>[vector<16xi32>], vector<16xf32>,
      %add3A_87 = arith.addf %add3A_82, %gather3A_86 : vector<16xf32>
      %mul3A_88 = arith.constant 16 : i32
      %mul3A_89 = arith.muli %scan3A_46, %mul3A_88 : i32
      %swap3A = arith.index_cast %mul3A_89 : i32 to index
      %swap3A_90 = tpu.vector_load %arg12[%swap3A] {strides = array<i32>} : memref<256xf32, #tpu.memory_space<vmem>>, vector<16xf32>,
      tpu.vector_store %arg12[%swap3A], %add3A_87 {strides = array<i32>} : memref<256xf32, #tpu.memory_space<vmem>>, vector<16xf32>,
    }
    %scan3A_41 = arith.constant 16 : i32
    %mul3A_42 = arith.constant 2048 : i32
    %mul3A_43 = arith.muli %add3A, %mul3A_42 : i32
    "tpu.region"() ({
      %run_scoped3A = tpu.sem_alloc : memref<!tpu.dma_semaphore, #tpu.memory_space<semaphore_mem>>
      %dma_start3A_46 = tpu.memref_slice %arg5[%mul3A_43] : memref<65536xi32, #tpu.memory_space<hbm>> -> memref<2048xi32, #tpu.memory_space<hbm>>
      %dma_start3A_47 = tpu.memref_slice %arg5[%mul3A_43] : memref<65536xi32, #tpu.memory_space<hbm>> -> memref<2048xi32, #tpu.memory_space<hbm>>
      tpu.enqueue_dma source(%arg10 : memref<2048xi32, #tpu.memory_space<vmem>>) target(%dma_start3A_47 : memref<2048xi32, #tpu.memory_space<hbm>>) target_semaphore(%run_scoped3A : memref<!tpu.dma_semaphore, #tpu.memory_space<semaphore_mem>>)
      %dma_wait3A_48 = tpu.memref_slice %arg5[%mul3A_43] : memref<65536xi32, #tpu.memory_space<hbm>> -> memref<2048xi32, #tpu.memory_space<hbm>>
      %dma_wait3A_49 = tpu.memref_slice %arg5[%mul3A_43] : memref<65536xi32, #tpu.memory_space<hbm>> -> memref<2048xi32, #tpu.memory_space<hbm>>
      tpu.wait_dma2 semaphore(%run_scoped3A : memref<!tpu.dma_semaphore, #tpu.memory_space<semaphore_mem>>) src(%arg10 : memref<2048xi32, #tpu.memory_space<vmem>>) dst(%dma_wait3A_49 : memref<2048xi32, #tpu.memory_space<hbm>>)
      tpu.yield
    }) : () -> ()
    %mul3A_44 = arith.constant 256 : i32
    %mul3A_45 = arith.muli %add3A, %mul3A_44 : i32
    "tpu.region"() ({
      %run_scoped3A = tpu.sem_alloc : memref<!tpu.dma_semaphore, #tpu.memory_space<semaphore_mem>>
      %dma_start3A_46 = tpu.memref_slice %arg6[%mul3A_45] : memref<8192xf32, #tpu.memory_space<hbm>> -> memref<256xf32, #tpu.memory_space<hbm>>
      %dma_start3A_47 = tpu.memref_slice %arg6[%mul3A_45] : memref<8192xf32, #tpu.memory_space<hbm>> -> memref<256xf32, #tpu.memory_space<hbm>>
      tpu.enqueue_dma source(%arg12 : memref<256xf32, #tpu.memory_space<vmem>>) target(%dma_start3A_47 : memref<256xf32, #tpu.memory_space<hbm>>) target_semaphore(%run_scoped3A : memref<!tpu.dma_semaphore, #tpu.memory_space<semaphore_mem>>)
      %dma_wait3A_48 = tpu.memref_slice %arg6[%mul3A_45] : memref<8192xf32, #tpu.memory_space<hbm>> -> memref<256xf32, #tpu.memory_space<hbm>>
      %dma_wait3A_49 = tpu.memref_slice %arg6[%mul3A_45] : memref<8192xf32, #tpu.memory_space<hbm>> -> memref<256xf32, #tpu.memory_space<hbm>>
      tpu.wait_dma2 semaphore(%run_scoped3A : memref<!tpu.dma_semaphore, #tpu.memory_space<semaphore_mem>>) src(%arg12 : memref<256xf32, #tpu.memory_space<vmem>>) dst(%dma_wait3A_49 : memref<256xf32, #tpu.memory_space<hbm>>)
      tpu.yield
    }) : () -> ()
    return
  }
}

module attributes {stable_mosaic.version = 14 : i64} {
  func.func @_score_body(%arg0: i32, %arg1: memref<8192x128xf32, #tpu.memory_space<vmem>>, %arg2: memref<1x128xf32, #tpu.memory_space<vmem>>, %arg3: memref<8192xf32, #tpu.memory_space<vmem>>) attributes {dimension_semantics = [#tpu.dimension_semantics<arbitrary>], iteration_bounds = array<i64: 7>, scalar_prefetch = 0 : i64, scratch_operands = 0 : i64, tpu.core_type = #tpu.core_type<tc>, window_params = [{transform_indices = @transform_0, window_bounds = array<i64: 8192, 128>}, {pipeline_mode = #tpu.pipeline_mode<synchronous>, transform_indices = @transform_1, window_bounds = array<i64: 1, 128>}, {transform_indices = @transform_2, window_bounds = array<i64: 8192>}]} {
    %get3A = arith.constant 0 : index
    %get3A_0 = arith.constant 0 : index
    %get3A_1 = vector.load %arg1[%get3A, %get3A_0] : memref<8192x128xf32, #tpu.memory_space<vmem>>, vector<8192x128xf32>
    %get3A_2 = arith.constant 0 : index
    %get3A_3 = arith.constant 0 : index
    %get3A_4 = vector.load %arg2[%get3A_2, %get3A_3] : memref<1x128xf32, #tpu.memory_space<vmem>>, vector<1x128xf32>
    %mul3A = vector.broadcast %get3A_4 : vector<1x128xf32> to vector<8192x128xf32>
    %mul3A_5 = arith.mulf %get3A_1, %mul3A : vector<8192x128xf32>
    %reduce_sum3A = arith.constant dense<0.000000e+00> : vector<8192xf32>
    %reduce_sum3A_6 = vector.multi_reduction <add>, %mul3A_5, %reduce_sum3A [1] : vector<8192x128xf32> to vector<8192xf32>
    %swap3A = arith.constant 0 : index
    %swap3A_7 = vector.load %arg3[%swap3A] : memref<8192xf32, #tpu.memory_space<vmem>>, vector<8192xf32>
    tpu.vector_store %arg3[%swap3A], %reduce_sum3A_6 {strides = array<i32>} : memref<8192xf32, #tpu.memory_space<vmem>>, vector<8192xf32>,
    return
  }
  func.func @transform_0(%arg0: i32) -> (i32, i32) {
    %c0_i32 = arith.constant 0 : i32
    %c0_i32_0 = arith.constant 0 : i32
    return %arg0, %c0_i32 : i32, i32
  }
  func.func @transform_1(%arg0: i32) -> (i32, i32) {
    %c0_i32 = arith.constant 0 : i32
    %c0_i32_0 = arith.constant 0 : i32
    %c0_i32_1 = arith.constant 0 : i32
    return %c0_i32, %c0_i32_0 : i32, i32
  }
  func.func @transform_2(%arg0: i32) -> i32 {
    %c0_i32 = arith.constant 0 : i32
    return %arg0 : i32
  }
}

</mosaic_0001>

<sc_bundles>
// kernel: kernel.4.cloned.1.call-start
scs
__scs_entry_jumppad:
0x0: {  	(pc) =	sbr.rel $0x88, $3  }
0x1: {  	(tag) =	ssettag $0x0;
	lr =	simm.s32 $0x1  }
0x2: {  	[smem:$0x3F9D] =	sst lr;
	_ =	strace $0xD0000000  }
0x3: {  	_ = 	snop  }
0x4: {  	_ = 	snop  }
0x5: {  	_ = 	snop  }
0x6: {  	_ = 	snop  }
0x7: {  	_ = 	snop  }
__scs_overlays_trampoline_lowered:
0x8: {  	[smem:$0x3FAC] =	sst s0  }
0x9: {  	[smem:$0x3FAD] =	sst s1  }
0xa: {  	[smem:$0x3FAE] =	sst s2  }
0xb: {  	[smem:$0x3FAF] =	sst s3  }
0xc: {  	[smem:$0x3FB0] =	sst s4  }
0xd: {  	[smem:$0x3FB1] =	sst s5  }
0xe: {  	[smem:$0x3FB2] =	sst s6  }
0xf: {  	[smem:$0x3FB3] =	sst s7  }
0x10: {  	[smem:$0x3FB4] =	sst s8  }
0x11: {  	[smem:$0x3FB5] =	sst s9;
	s0 =	simm.s32 @!p0 $0x0  }
0x12: {  	s1 =	sld [smem:$0x3F9B];
	s0 =	simm.s32 @p0 $0x1  }
0x13: {  	[smem:$0x3FB6] =	sst s0;
	s0 =	simm.s32 @!p1 $0x0  }
0x14: {  	s2 =	sld [smem:$0x3F9A];
	s0 =	simm.s32 @p1 $0x1  }
0x15: {  	[smem:$0x3FB7] =	sst s0;
	s0 =	simm.s32 @!p2 $0x0  }
0x16: {  	s3 =	sld [smem:$0x3FDB];
	s0 =	simm.s32 @p2 $0x1  }
0x17: {  	s4 =	simm.s32 $0x1BF5;
	[smem:$0x3FB9] =	sst s0  }
0x18: {  	s0 =	sld [smem:$0x3F9C];
	_ =	swait.ge [sflag:s4], $0x0  }
0x19: {  	s7 =	sld [smem:$0x3F9D]  }
0x1a: {  	s8 =	sadd.s32 $0xFFFFE003, lr  }
0x1b: {  	s9 =	sadd.s32 $0xFFFFFEF7, lr;
	s5 =	simm.s32 $0xFFFFFFFF;
	p2 =	slt.u32 s8, $0xFFFFF086  }
0x1c: {  	p1 =	slt.u32 s9, $0xF7A;
	s5 =	simm.s32 @!p2 $0x0  }
0x1d: {  	s5 =	simm.s32 @p1 $0x1;
	p0 =	seq.s32 s7, s2  }
0x1e: {  	s7 =	smul.u32 @!p0 $0xF7A, s2;
	p2 =	seq.s32 @!p0 s5, $0x0  }
0x1f: {  	s9 =	smul.u32 $0xF7A, s1;
	s8 =	simm.s32 @!p0 $0x1BF5;
	p2 =	por !p2, p0  }
0x20: {  	[sflag:s8] =	ssyncset.s32 @!p0 $0xFFFFF086;
	s6 =	sadd.s32 @!p0 s3, s7;
	s7 =	simm.s32 @!p0 $0x108  }
0x21: {  	s3 =	sadd.s32 s3, s9;
	s6 =	sadd.s32 @!p0 $0x88, s6;
	s7 =	simm.s32 @p2 $0x1082  }
0x22: {  	[simem:s7], [sflag:s8] =	dma.local @!p0 [hbm:s6], $0xF7A  }
0x23: {  	s9 =	sor.u32 $0xD0000000, s2;
	s6 =	simm.s32 $0x108;
	_ =	swait.ge @!p0 [sflag:s8], $0x0  }
0x24: {  	s3 =	sadd.s32 $0x88, s3;
	s6 =	simm.s32 @!p1 $0x1082;
	[sflag:s4] =	ssyncset.s32 $0xFFFFF086  }
0x25: {  	[simem:s6], [sflag:s4] =	dma.local [hbm:s3], $0xF7A  }
0x26: {  	[smem:$0x3F9D] =	sst s1;
	(tag) =	ssettag s2;
	_ =	strace s9  }
0x27: {  	s1 =	sld [smem:$0x3FAD]  }
0x28: {  	s2 =	sld [smem:$0x3FAE]  }
0x29: {  	s4 =	sld [smem:$0x3FB0]  }
0x2a: {  	p0 =	seq.s32 s5, $0x0;
	s5 =	sld [smem:$0x3FB1]  }
0x2b: {  	s6 =	sld [smem:$0x3FB2]  }
0x2c: {  	s7 =	sld [smem:$0x3FB3]  }
0x2d: {  	s3 =	simm.s32 $0x108;
	s8 =	sld [smem:$0x3FB4]  }
0x2e: {  	s3 =	simm.s32 @!p0 $0x1082;
	s9 =	sld [smem:$0x3FB5]  }
0x2f: {  	lr =	sadd.s32 s0, s3;
	s0 =	sld [smem:$0x3FAC]  }
0x30: {  	s3 =	sld [smem:$0x3FAF]  }
0x31: {  	[smem:$0x3FB8] =	sst s10  }
0x32: {  	s10 =	sld [smem:$0x3FB6];
	_ =	sdelay $0x3  }
0x33: {  	p0 =	seq.s32 s10, $0x1;
	s10 =	sld [smem:$0x3FB8];
	_ =	sdelay $0x3  }
0x34: {  	[smem:$0x3FB8] =	sst s10  }
0x35: {  	s10 =	sld [smem:$0x3FB7];
	_ =	sdelay $0x3  }
0x36: {  	p1 =	seq.s32 s10, $0x1;
	s10 =	sld [smem:$0x3FB8];
	_ =	sdelay $0x3  }
0x37: {  	[smem:$0x3FB8] =	sst s10  }
0x38: {  	s10 =	sld [smem:$0x3FB9]  }
0x39: {  	_ = 	snop;
	(pc) =	sbr.ind lr, $3  }
0x3a: {  	_ = 	snop  }
0x3b: {  	_ = 	snop  }
0x3c: {  	p2 =	seq.s32 s10, $0x1;
	s10 =	sld [smem:$0x3FB8]  }
0x3d: {  	_ =	shalt  }
0x3e: {  	_ =	shalt  }
0x3f: {  	_ =	shalt  }
0x40: {  	_ =	shalt  }
0x41: {  	_ =	shalt  }
0x42: {  	_ =	shalt  }
0x43: {  	_ =	shalt  }
0x44: {  	_ =	shalt  }
0x45: {  	_ =	shalt  }
0x46: {  	_ =	shalt  }
0x47: {  	_ =	shalt  }
0x48: {  	_ =	shalt  }
0x49: {  	_ =	shalt  }
0x4a: {  	_ =	shalt  }
0x4b: {  	_ =	shalt  }
0x4c: {  	_ =	shalt  }
0x4d: {  	_ =	shalt  }
0x4e: {  	_ =	shalt  }
0x4f: {  	_ =	shalt  }
0x50: {  	_ =	shalt  }
0x51: {  	_ =	shalt  }
0x52: {  	_ =	shalt  }
0x53: {  	_ =	shalt  }
0x54: {  	_ =	shalt  }
0x55: {  	_ =	shalt  }
0x56: {  	_ =	shalt  }
0x57: {  	_ =	shalt  }
0x58: {  	_ =	shalt  }
0x59: {  	_ =	shalt  }
0x5a: {  	_ =	shalt  }
0x5b: {  	_ =	shalt  }
0x5c: {  	_ =	shalt  }
0x5d: {  	_ =	shalt  }
0x5e: {  	_ =	shalt  }
0x5f: {  	_ =	shalt  }
0x60: {  	_ =	shalt  }
0x61: {  	_ =	shalt  }
0x62: {  	_ =	shalt  }
0x63: {  	_ =	shalt  }
0x64: {  	_ =	shalt  }
0x65: {  	_ =	shalt  }
0x66: {  	_ =	shalt  }
0x67: {  	_ =	shalt  }
0x68: {  	_ =	shalt  }
0x69: {  	_ =	shalt  }
0x6a: {  	_ =	shalt  }
0x6b: {  	_ =	shalt  }
0x6c: {  	_ =	shalt  }
0x6d: {  	_ =	shalt  }
0x6e: {  	_ =	shalt  }
0x6f: {  	_ =	shalt  }
0x70: {  	_ =	shalt  }
0x71: {  	_ =	shalt  }
0x72: {  	_ =	shalt  }
0x73: {  	_ =	shalt  }
0x74: {  	_ =	shalt  }
0x75: {  	_ =	shalt  }
0x76: {  	_ =	shalt  }
0x77: {  	_ =	shalt  }
0x78: {  	_ =	shalt  }
0x79: {  	_ =	shalt  }
0x7a: {  	_ =	shalt  }
0x7b: {  	_ =	shalt  }
0x7c: {  	_ =	shalt  }
0x7d: {  	_ =	shalt  }
0x7e: {  	_ =	shalt  }
0x7f: {  	_ =	shalt  }
0x80: {  	_ =	shalt  }
0x81: {  	_ =	shalt  }
0x82: {  	_ =	shalt  }
0x83: {  	_ =	shalt  }
0x84: {  	_ =	shalt  }
0x85: {  	_ =	shalt  }
0x86: {  	_ =	shalt  }
0x87: {  	_ =	shalt  }
.Lfunc_end0:
.L_simem_size_0:
called_computation_lowered:
.L_overlay_start_0:
0x88: {  	s2 =	sld [smem:$0x3FD9]  }
0x89: {  	s3 =	sld [smem:$0x3FFE];
	_ =	sdelay $0x1  }
0x8a: {  	s1 =	srdreg.scid  }
0x8b: {  	s0 =	sand.u32 $0x1, s1  }
0x8c: {  	s14 =	sshll.u32 s0, $0xA;
	s2 =	sadd.s32 s3, s2  }
0x8d: {  	s2 =	sadd.s32 s2, s14  }
0x8e: {  	[smem:$0x3FC4] =	sst s2  }
0x8f: {  	_ = 	snop  }
0x90: {  	s2 =	sld [smem:$0x3FD0];
	_ =	sdelay $0x2  }
0x91: {  	s4 =	simm.s32 $0xA;
	s5 =	simm.s32 $0x10;
	s15 =	sld [smem:$0x3FC7]  }
0x92: {  	[smem:s5], [sflag:s4] =	dma.local [hbm:s2], $0x1  }
0x93: {  	_ =	swait.eq [sflag:s4], $0x1  }
0x94: {  	s16 =	sld [smem:$0x10];
	[sflag:s4] =	ssyncset.done $0x0  }
0x95: {  	s17 =	sld [smem:$0x11];
	[sflag:s4] =	ssyncadd.s32 $0xFFFFFFFF  }
0x96: {  	s18 =	sld [smem:$0x12];
	(tm) =	ssettm $0x1  }
0x97: {  	s6 =	sld [smem:$0x3FFB];
	_ =	sdelay $0x3  }
0x98: {  	_ =	strace s6  }
0x99: {  	s6 =	sld [smem:$0x3FFC];
	_ =	sdelay $0x3  }
0x9a: {  	_ =	strace s6  }
0x9b: {  	s6 =	sld [smem:$0x3FFD];
	_ =	sdelay $0x3  }
0x9c: {  	_ =	strace s6  }
0x9d: {  	_ =	strace $0x8FFFFFFF  }
0x9e: {  	s19 =	sld [smem:$0x3FDB];
	_ =	sdelay $0x1  }
0x9f: {  	s7 =	simm.s32 $_scs_section_size  }
0xa0: {  	s8 =	simm.s32 $_size__tile_overlayer_lowered;
	s9 =	simm.s32 $_tile_overlayer_lowered  }
0xa1: {  	s22 =	simm.s32 $0x1BFF;
	s21 =	sshll.u32 s9, $0x1;
	s6 =	sadd.s32 s7, s19  }
0xa2: {  	s10 =	simm.s32 $0x0;
	s20 =	sshll.u32 s8, $0x1;
	s8 =	sadd.s32 s21, s6  }
0xa3: {  	[timem:s10], [sflag:s22] =	dma.local [hbm:s8], s20  }
0xa4: {  	_ =	swait.ge [sflag:s22], s20  }
0xa5: {  	s7 =	ssub.s32 $0x0, s20;
	[sflag:s22] =	ssyncset.done $0x0  }
0xa6: {  	[sflag:s22] =	ssyncadd.s32 s7;
	_ =	sdelay $0x1  }
0xa7: {  	s23 =	simm.s32 $0x1B8B  }
0xa8: {  	_ =	swait.ge [sflag:s23], $0x1  }
0xa9: {  	[sflag:s23] =	ssyncset.done $0x0  }
0xaa: {  	s25 =	simm.s32 $0x1B8E;
	s24 =	sld [smem:$0x3FFE];
	[sflag:s23] =	ssyncadd.s32 $0xFFFFFFFF  }
0xab: {  	s26 =	simm.s32 $execute0_lowered;
	[smem:$0x3FD2] =	sst s25  }
0xac: {  	s8 =	sshll.u32 s26, $0x1;
	_ =	strace $0x80000046;
	[dreg:$0x1] =	wrdreg $0xFFFFFFFF  }
0xad: {  	s28 =	simm.s32 $_size_execute0_lowered;
	s6 =	sadd.s32 s6, s8;
	[dreg:$0x0] =	wrdreg $0x0  }
0xae: {  	s8 =	sshll.u32 s28, $0x1;
	[dreg:$0x2] =	wrdreg s6  }
0xaf: {  	[dreg:$0x3] =	wrdreg s8  }
0xb0: {  	[dreg:$0x4] =	wrdreg $0xC0  }
0xb1: {  	_ =	task [dreg:s10], $0x5FFFF  }
0xb2: {  	[dreg:$0x1] =	wrdreg $0xFFFFFFFF  }
0xb3: {  	[dreg:$0x0] =	wrdreg $0x60  }
0xb4: {  	[dreg:$0x2] =	wrdreg s16  }
0xb5: {  	[dreg:$0x3] =	wrdreg s15  }
0xb6: {  	[dreg:$0x4] =	wrdreg s24  }
0xb7: {  	[dreg:$0x5] =	wrdreg s17  }
0xb8: {  	[dreg:$0x6] =	wrdreg s18  }
0xb9: {  	[dreg:$0x7] =	wrdreg $0x9  }
0xba: {  	_ =	task.clear_ibuf [dreg:s10], $0x8FFFF;
	_ =	strace $0x90000046  }
0xbb: {  	s29 =	simm.s32 $0x9;
	_ =	strace $0x80000048  }
0xbc: {  	_ =	swait.ge [sflag:s29], $0x1  }
0xbd: {  	[sflag:s29] =	ssyncadd.s32 $0xFFFFFFFF  }
0xbe: {  	_ =	strace $0x90000048  }
0xbf: {  	_ =	sfence  }
0xc0: {  	s30 =	sld [smem:$0x0];
	_ =	sdelay $0x2  }
0xc1: {  	s31 =	sshll.u32 s1, $0xD;
	s1 =	sshrl.u32 s1, $0x2  }
0xc2: {  	s3 =	sand.u32 $0x4000, s31;
	s1 =	sadd.s32 s1, s30  }
0xc3: {  	s0 =	sor.u32 s3, s0;
	s1 =	sshll.u32 s1, $0x11  }
0xc4: {  	s0 =	sor.u32 s1, s0  }
0xc5: {  	s0 =	sadd.s32 $0x8F2B, s0  }
0xc6: {  	[sflag:s0] =	ssyncadd.remote.s32 $0x1  }
0xc7: {  	_ =	sfence.sel $0xFFFF  }
0xc8: {  	[dreg:$0x0] =	wrdreg $0xFFFFFFFF;
	(pc) =	sbr.abs _section_cstart, $3  }
0xc9: {  	[dreg:$0x1] =	wrdreg $0xFFFFFFFF  }
0xca: {  	_ =	task.clear_ibuf [dreg:s10], $0x2FFFF;
	_ =	strace $0x9FFFFFFF  }
0xcb: {  	(tm) =	ssettm $0x7FFFFFFF  }
tec
execute0_lowered:
.L_overlay_start_1:
0x0: {  	(tag) =	ssettag $0x1  }
0x1: {  	s1 =	rddreg [dreg:$0x0]  }
0x2: {  	s5 =	rddreg [dreg:$0x1]  }
0x3: {  	s4 =	rddreg [dreg:$0x2]  }
0x4: {  	s6 =	rddreg [dreg:$0x3]  }
0x5: {  	s7 =	rddreg [dreg:$0x4]  }
0x6: {  	s0 =	rddreg [dreg:$0x5]  }
0x7: {  	s3 =	simm.s32 $0x0;
	s8 =	srdreg.scid;
	s2 =	stileid.u32  }
0x8: {  	s12 =	simm.s32 $0xE100;
	s13 =	simm.s32 $0xE080;
	s14 =	simm.s32 $0x10100  }
0x9: {  	s15 =	simm.s32 $0x1;
	s16 =	simm.s32 $0x12900;
	s17 =	simm.s32 $0x12100  }
0xa: {  	v1 =	vlaneseq.u32;
	s18 =	simm.s32 $0x13100;
	s19 =	simm.s32 $0x0;
	s23 =	simm.s32 $0x0  }
0xb: {  	[smem:$0x7FF] =	sst s3;
	s8 =	sand.u32 $0x1, s8;
	s10 =	sshll.u32 s2, $0x1;
	v0 =	vand.u32 $0x7, v1  }
0xc: {  	s4 =	sadd.s32 $0x800, s4;
	s9 =	ssub.s32 $0x2, s8;
	s8 =	sor.u32 s8, s10;
	v0 =	vmul.u32 $0x8, v0  }
0xd: {  	_ =	strace $0x80000047;
	s11 =	sshrl.u32 s9, $0x1;
	s10 =	sshll.u32 s8, $0x5  }
0xe: {  	v9 =	vimm.f32 $1.000000000e+00;
	v1 =	vmul.u32 $0x8, v1;
	s8 =	sshll.u32 s8, $0x8;
	s9 =	ssub.s32 s9, s11;
	s5 =	sadd.s32 s5, s10;
	v2 =	vor.u32 $0x1, v0  }
0xf: {  	s6 =	sadd.s32 s6, s8;
	s7 =	sadd.s32 s7, s10;
	s10 =	simm.s32 $0x2;
	v3 =	vor.u32 $0x2, v0;
	v4 =	vor.u32 $0x3, v0;
	v5 =	vor.u32 $0x4, v0  }
0x10: {  	s11 =	simm.s32 $0x80;
	v6 =	vor.u32 $0x5, v0;
	v7 =	vor.u32 $0x6, v0;
	v8 =	vor.u32 $0x7, v0;
	s8 =	smax.u32 s9, $0x1;
	s9 =	simm.s32 $0xE000  }
.LBB2_1:
0x11: {  	[tilespmem:s9], [sflag:$0x2] =	stream.linear.gather [hbm4b:s5+s3], $0x100, $0x38;
	[tilespmem:$0x13200] =	vst v63  }
0x12: {  	_ =	swait.ge [sflag:s10], $0x100  }
0x13: {  	[sflag:s10] =	ssyncset.done $0x0  }
0x14: {  	[sflag:s10] =	ssyncadd.s32 $0xFFFFFF00  }
0x15: {  	[tilespmem:s12], [sflag:$0x1] =	stream.indirect.gather [hbm4b:s4+s11], $0x40, s9, s11, $0xb8;
	[tilespmem:$0x13200] =	vst v63  }
0x16: {  	_ = 	snop  }
0x17: {  	[tilespmem:s14], [sflag:$0x1] =	stream.indirect.gather [hbm4b:s4+s11], $0x40, s13, s11, $0xb8;
	[tilespmem:$0x13200] =	vst v63  }
0x18: {  	_ = 	snop  }
0x19: {  	[tilespmem:s3], [sflag:$0x2] =	stream.linear.gather [hbm4b:s1+s3], $0xE000, $0x38;
	[tilespmem:$0x13200] =	vst v63  }
0x1a: {  	_ =	swait.ge [sflag:s10], $0xE000  }
0x1b: {  	[sflag:s10] =	ssyncset.done $0x0  }
0x1c: {  	[sflag:s10] =	ssyncadd.s32 $0xFFFF2000  }
0x1d: {  	_ =	swait.ge [sflag:s15], $0x2000  }
0x1e: {  	[sflag:s15] =	ssyncset.done $0x0  }
0x1f: {  	[sflag:s15] =	ssyncadd.s32 $0xFFFFE000  }
0x20: {  	_ =	swait.ge [sflag:s15], $0x2000  }
0x21: {  	s20 =	simm.s32 $0x12900;
	[sflag:s15] =	ssyncset.done $0x0  }
0x22: {  	s21 =	simm.s32 $0x12100;
	s22 =	simm.s32 $0x0;
	[sflag:s15] =	ssyncadd.s32 $0xFFFFE000  }
.LBB2_2:
0x23: {  	v10 =	vmov s22  }
0x24: {  	v10 =	vshll.u32 v10, $0x3  }
0x25: {  	v10 =	vor.u32 v1, v10  }
0x26: {  	v10 =	vand.u32 $0x3FC0, v10  }
0x27: {  	v11 =	vor.u32 v0, v10  }
0x28: {  	v12 =	vor.u32 v2, v10;
	_ =	sdelay $0x1  }
0x29: {  	v13 =	vor.u32 v3, v10;
	_ =	sdelay $0x1  }
0x2a: {  	v14 =	vor.u32 v4, v10;
	v11 =	vld.idx.msk [tilespmem:v11+s12+$0x0], $0xffff  }
0x2b: {  	v15 =	vor.u32 v5, v10;
	v12 =	vld.idx.msk [tilespmem:v12+s12+$0x0], $0xffff  }
0x2c: {  	v16 =	vor.u32 v6, v10  }
0x2d: {  	v13 =	vld.idx.msk [tilespmem:v13+s12+$0x0], $0xffff;
	_ =	sdelay $0x1  }
0x2e: {  	v17 =	vor.u32 v7, v10;
	v14 =	vld.idx.msk [tilespmem:v14+s12+$0x0], $0xffff  }
0x2f: {  	v15 =	vld.idx.msk [tilespmem:v15+s12+$0x0], $0xffff  }
0x30: {  	v18 =	vor.u32 v8, v10;
	v16 =	vld.idx.msk [tilespmem:v16+s12+$0x0], $0xffff  }
0x31: {  	v11 =	vld.idx.msk [tilespmem:v11+s23+$0x0], $0xffff  }
0x32: {  	v12 =	vld.idx.msk [tilespmem:v12+s23+$0x0], $0xffff  }
0x33: {  	v17 =	vld.idx.msk [tilespmem:v17+s12+$0x0], $0xffff  }
0x34: {  	v13 =	vld.idx.msk [tilespmem:v13+s23+$0x0], $0xffff  }
0x35: {  	v18 =	vld.idx.msk [tilespmem:v18+s12+$0x0], $0xffff  }
0x36: {  	v14 =	vld.idx.msk [tilespmem:v14+s23+$0x0], $0xffff  }
0x37: {  	vm0 =	vlt.f32 v12, v11  }
0x38: {  	v57 =	vld.idx.msk [tilespmem:v15+s23+$0x0], $0xffff;
	v11 =	vsel vm0, v12, v11  }
0x39: {  	vm1 =	vlt.f32 v13, v11  }
0x3a: {  	v58 =	vld.idx.msk [tilespmem:v16+s23+$0x0], $0xffff;
	v11 =	vsel vm1, v13, v11  }
0x3b: {  	vm2 =	vlt.f32 v14, v11  }
0x3c: {  	v59 =	vld.idx.msk [tilespmem:v17+s23+$0x0], $0xffff;
	v11 =	vsel vm2, v14, v11  }
0x3d: {  	vm3 =	vlt.f32 v57, v11  }
0x3e: {  	v60 =	vld.idx.msk [tilespmem:v18+s23+$0x0], $0xffff;
	v61 =	vsel vm0, v2, v0;
	v11 =	vsel vm3, v57, v11  }
0x3f: {  	v15 =	vsel vm1, v3, v61;
	vm12 =	vlt.f32 v58, v11  }
0x40: {  	v62 =	vsel vm2, v4, v15;
	v11 =	vsel vm12, v58, v11  }
0x41: {  	v13 =	vsel vm3, v5, v62;
	vm13 =	vlt.f32 v59, v11  }
0x42: {  	v13 =	vsel vm12, v6, v13;
	v11 =	vsel vm13, v59, v11  }
0x43: {  	vm14 =	vlt.f32 v60, v11;
	v11 =	vsel vm13, v7, v13  }
0x44: {  	v11 =	vsel vm14, v8, v11  }
0x45: {  	v63 =	vand.u32 $0xFFFFFFF8, v11  }
0x46: {  	v11 =	vand.u32 $0x7, v11;
	v10 =	vadd.s32 v10, v63  }
0x47: {  	v10 =	vor.u32 v11, v10;
	_ =	sdelay $0x4  }
0x48: {  	v10 =	vld.idx.msk [tilespmem:v10+s12+$0x0], $0xffff;
	_ =	sdelay $0x1  }
0x49: {  	p0 =	sne.s32 s22, $0x7F0  }
.Ltmp0:
0x4a: {  	_ = 	snop;
	(pc) =	sbr.rel @p0 .LBB2_2-.Ltmp0, $4  }
0x4b: {  	_ = 	snop  }
0x4c: {  	vm15 =	veq.s32 v10, $0xC34F  }
0x4d: {  	[tilespmem:s21+$0x0] =	vst v10;
	v10 =	vsel vm15, $0x0, v9  }
0x4e: {  	s22 =	sadd.s32 $0x10, s22;
	s21 =	sadd.s32 $0x10, s21;
	[tilespmem:s20+$0x0] =	vst v10;
	s20 =	sadd.s32 $0x10, s20  }
0x4f: {  	v10 =	vmov s23  }
0x50: {  	v10 =	vshll.u32 v10, $0x3  }
0x51: {  	v10 =	vor.u32 v1, v10  }
0x52: {  	v11 =	vor.u32 $0x1, v10;
	_ =	sdelay $0x1  }
0x53: {  	v12 =	vor.u32 $0x2, v10;
	_ =	sdelay $0x1  }
0x54: {  	v13 =	vor.u32 $0x3, v10;
	v14 =	vld.idx.msk [tilespmem:v10+s16+$0x0], $0xffff  }
0x55: {  	v11 =	vld.idx.msk [tilespmem:v11+s16+$0x0], $0xffff  }
0x56: {  	v15 =	vor.u32 $0x4, v10  }
0x57: {  	v12 =	vld.idx.msk [tilespmem:v12+s16+$0x0], $0xffff  }
0x58: {  	v16 =	vor.u32 $0x5, v10  }
0x59: {  	v13 =	vld.idx.msk [tilespmem:v13+s16+$0x0], $0xffff  }
0x5a: {  	v17 =	vor.u32 $0x6, v10;
	v11 =	vadd.f32 v11, v14  }
0x5b: {  	v14 =	vld.idx.msk [tilespmem:v15+s16+$0x0], $0xffff  }
0x5c: {  	v10 =	vor.u32 $0x7, v10;
	v11 =	vadd.f32 v12, v11  }
0x5d: {  	v12 =	vld.idx.msk [tilespmem:v16+s16+$0x0], $0xffff  }
0x5e: {  	v11 =	vadd.f32 v13, v11  }
0x5f: {  	v13 =	vld.idx.msk [tilespmem:v17+s16+$0x0], $0xffff  }
0x60: {  	s20 =	simm.s32 $0x10;
	v11 =	vadd.f32 v14, v11  }
0x61: {  	v10 =	vld.idx.msk [tilespmem:v10+s16+$0x0], $0xffff;
	v14 =	vmov s20  }
0x62: {  	v14 =	vshll.u32 v14, $0x3;
	v11 =	vadd.f32 v12, v11  }
0x63: {  	v12 =	vor.u32 v1, v14  }
0x64: {  	v14 =	vor.u32 $0x1, v12;
	v11 =	vadd.f32 v13, v11;
	_ =	sdelay $0x1  }
0x65: {  	v10 =	vadd.f32 v10, v11  }
0x66: {  	s20 =	simm.s32 $0x13100;
	v11 =	vor.u32 $0x2, v12  }
0x67: {  	[tilespmem:s20+$0x0] =	vst v10  }
0x68: {  	v13 =	vor.u32 $0x3, v12;
	v10 =	vld.idx.msk [tilespmem:v14+s16+$0x0], $0xffff  }
0x69: {  	v14 =	vld.idx.msk [tilespmem:v12+s16+$0x0], $0xffff  }
0x6a: {  	v15 =	vor.u32 $0x4, v12  }
0x6b: {  	v11 =	vld.idx.msk [tilespmem:v11+s16+$0x0], $0xffff;
	_ =	sdelay $0x1  }
0x6c: {  	v63 =	vor.u32 $0x5, v12;
	v13 =	vld.idx.msk [tilespmem:v13+s16+$0x0], $0xffff  }
0x6d: {  	v10 =	vadd.f32 v10, v14  }
0x6e: {  	v14 =	vld.idx.msk [tilespmem:v15+s16+$0x0], $0xffff;
	v15 =	vor.u32 $0x6, v12  }
0x6f: {  	v10 =	vadd.f32 v11, v10  }
0x70: {  	v11 =	vor.u32 $0x7, v12  }
0x71: {  	v12 =	vld.idx.msk [tilespmem:v63+s16+$0x0], $0xffff;
	v10 =	vadd.f32 v13, v10;
	_ =	sdelay $0x1  }
0x72: {  	v14 =	vadd.f32 v14, v10;
	v10 =	vld.idx.msk [tilespmem:v15+s16+$0x0], $0xffff  }
0x73: {  	s21 =	simm.s32 $0x20  }
0x74: {  	v13 =	vmov s21;
	v11 =	vld.idx.msk [tilespmem:v11+s16+$0x0], $0xffff  }
0x75: {  	s21 =	simm.s32 $0x30;
	v13 =	vshll.u32 v13, $0x3;
	v12 =	vadd.f32 v12, v14  }
.LBB2_4:
0x76: {  	p0 =	sne.s32 s21, $0xF0;
	v13 =	vor.u32 v1, v13  }
0x77: {  	v14 =	vor.u32 $0x1, v13;
	v10 =	vadd.f32 v10, v12;
	_ =	sdelay $0x1  }
0x78: {  	v10 =	vadd.f32 v11, v10  }
0x79: {  	s20 =	sadd.s32 $0x10, s20;
	v11 =	vor.u32 $0x2, v13  }
0x7a: {  	[tilespmem:s20+$0x0] =	vst v10  }
0x7b: {  	v12 =	vor.u32 $0x3, v13;
	v10 =	vld.idx.msk [tilespmem:v14+s16+$0x0], $0xffff  }
0x7c: {  	v14 =	vld.idx.msk [tilespmem:v13+s16+$0x0], $0xffff  }
0x7d: {  	v15 =	vor.u32 $0x4, v13  }
0x7e: {  	v11 =	vld.idx.msk [tilespmem:v11+s16+$0x0], $0xffff  }
0x7f: {  	v16 =	vor.u32 $0x5, v13  }
0x80: {  	v12 =	vld.idx.msk [tilespmem:v12+s16+$0x0], $0xffff  }
0x81: {  	v17 =	vor.u32 $0x6, v13  }
0x82: {  	v10 =	vadd.f32 v10, v14;
	v14 =	vld.idx.msk [tilespmem:v15+s16+$0x0], $0xffff  }
0x83: {  	v13 =	vor.u32 $0x7, v13  }
0x84: {  	v10 =	vadd.f32 v11, v10;
	v15 =	vld.idx.msk [tilespmem:v16+s16+$0x0], $0xffff;
	_ =	sdelay $0x1  }
.Ltmp1:
0x85: {  	v11 =	vadd.f32 v12, v10;
	v10 =	vld.idx.msk [tilespmem:v17+s16+$0x0], $0xffff;
	(pc) =	sbr.rel @p0 .LBB2_4-.Ltmp1, $4  }
0x86: {  	_ = 	snop  }
0x87: {  	v12 =	vadd.f32 v14, v11;
	v11 =	vld.idx.msk [tilespmem:v13+s16+$0x0], $0xffff  }
0x88: {  	v13 =	vmov s21  }
0x89: {  	s21 =	sadd.s32 $0x10, s21;
	v13 =	vshll.u32 v13, $0x3;
	v12 =	vadd.f32 v15, v12  }
0x8a: {  	v13 =	vor.u32 v1, v13  }
0x8b: {  	v14 =	vor.u32 $0x1, v13;
	v10 =	vadd.f32 v10, v12;
	_ =	sdelay $0x1  }
0x8c: {  	v10 =	vadd.f32 v11, v10  }
0x8d: {  	s20 =	sadd.s32 $0x10, s20;
	v11 =	vor.u32 $0x2, v13  }
0x8e: {  	[tilespmem:s20+$0x0] =	vst v10  }
0x8f: {  	v60 =	vor.u32 $0x3, v13;
	v10 =	vld.idx.msk [tilespmem:v14+s16+$0x0], $0xffff  }
0x90: {  	v61 =	vld.idx.msk [tilespmem:v13+s16+$0x0], $0xffff  }
0x91: {  	v15 =	vor.u32 $0x4, v13  }
0x92: {  	v11 =	vld.idx.msk [tilespmem:v11+s16+$0x0], $0xffff  }
0x93: {  	v16 =	vor.u32 $0x5, v13  }
0x94: {  	v12 =	vld.idx.msk [tilespmem:v60+s16+$0x0], $0xffff  }
0x95: {  	v17 =	vor.u32 $0x6, v13;
	v10 =	vadd.f32 v10, v61  }
0x96: {  	v62 =	vld.idx.msk [tilespmem:v15+s16+$0x0], $0xffff  }
0x97: {  	v13 =	vor.u32 $0x7, v13;
	v10 =	vadd.f32 v11, v10  }
0x98: {  	v11 =	vld.idx.msk [tilespmem:v16+s16+$0x0], $0xffff  }
0x99: {  	v10 =	vadd.f32 v12, v10  }
0x9a: {  	v63 =	vld.idx.msk [tilespmem:v17+s16+$0x0], $0xffff  }
0x9b: {  	v10 =	vadd.f32 v62, v10  }
0x9c: {  	v13 =	vld.idx.msk [tilespmem:v13+s16+$0x0], $0xffff  }
0x9d: {  	v10 =	vadd.f32 v11, v10;
	_ =	sdelay $0x1  }
0x9e: {  	v10 =	vadd.f32 v63, v10;
	_ =	sdelay $0x1  }
0x9f: {  	v10 =	vadd.f32 v13, v10  }
0xa0: {  	s20 =	sadd.s32 $0x10, s20  }
0xa1: {  	[tilespmem:s20+$0x0] =	vst v10  }
0xa2: {  	[hbm4b:s6+s3] =	stream.linear.scatter [tilespmem:s17], [sflag:$0x2], $0x800, $0x38;
	[tilespmem:$0x13200] =	vst v63  }
0xa3: {  	s19 =	sadd.s32 $0x1, s19;
	_ =	swait.ge [sflag:s10], $0x800  }
0xa4: {  	p0 =	sne.s32 s19, s8;
	[sflag:s10] =	ssyncset.done $0x0  }
.Ltmp2:
0xa5: {  	[sflag:s10] =	ssyncadd.s32 $0xFFFFF800;
	(pc) =	sbr.rel @p0 .LBB2_1-.Ltmp2, $4  }
0xa6: {  	[hbm4b:s7+s3] =	stream.linear.scatter [tilespmem:s18], [sflag:$0x2], $0x100, $0x38;
	[tilespmem:$0x13200] =	vst v63  }
0xa7: {  	_ =	swait.ge [sflag:s10], $0x100  }
0xa8: {  	[sflag:s10] =	ssyncset.done $0x0  }
0xa9: {  	[sflag:s10] =	ssyncadd.s32 $0xFFFFFF00  }
0xaa: {  	_ =	sfence.sel $0x180000  }
0xab: {  	[bflag:$0x0] =	sbarrier.arrive $0xFFFF  }
0xac: {  	p0 =	sne.s32 s2, $0x0;
	_ =	strace $0x90000047  }
0xad: {  	s0 =	sadd.s32 @!p0 $0x100000, s0;
	[bflag:$0x2] =	sbarrier.arrive $0xFFFF  }
0xae: {  	[sflag:s0] =	ssyncadd.tile.s32 @!p0 $0x1;
	_ =	shalt  }
.Lfunc_end2:
_tile_overlayer_lowered:
.L_overlay_start_2:
0xaf: {  	(tag) =	ssettag $0x2  }
0xb0: {  	s0 =	rddreg [dreg:$0x0];
	s2 =	stileid.u32  }
0xb1: {  	s1 =	rddreg [dreg:$0x1];
	p0 =	sne.s32 s2, $0x0  }
0xb2: {  	s3 =	rddreg [dreg:$0x2];
	[bflag:$0x3] =	sbarrier.arrive $0xFFFF;
	s2 =	simm.s32 @!p0 $0x1C02  }
0xb3: {  	[timem:s3], [sflag:s2] =	dma.local @!p0 [hbm:s0], s1  }
0xb4: {  	s0 =	simm.s32 @!p0 $0x2  }
0xb5: {  	_ =	swait.ge @!p0 [sflag:s0], s1  }
0xb6: {  	s1 =	ssub.s32 @!p0 $0x0, s1;
	[sflag:s0] =	ssyncset.done @!p0 $0x0  }
0xb7: {  	[sflag:s0] =	ssyncadd.s32 @!p0 s1  }
0xb8: {  	[bflag:$0x3] =	sbarrier.arrive $0xFFFF  }
0xb9: {  	_ =	shalt  }

</sc_bundles>
